<compile_context>
chip_gen: v7x
topology: tpu7x:2x2x1
jax: 0.10.2.dev20260603
libtpu: 0.0.44.dev20260713+nightly
codegen_flags: <defaults>
</compile_context>

<pallas_src>
import functools

import jax
import jax.numpy as jnp
from jax import lax
from jax.experimental import pallas as pl
from jax.experimental.pallas import tpu as pltpu
from jax.experimental.pallas import tpu_sc as plsc

_COMMIT = 0.25
_E = 8192
_D = 32
_N = 32768
_TOK_BLK = 2048
_CODE_CHUNK = 2048
_NW = 32
_TPW = _N // _NW
_GCH = 128


def _argmin_body(x_ref, zsq_ref, esq_ref, cbt_ref, idx_ref):
    xb = x_ref[...]
    zsq = zsq_ref[...]
    accv = None
    acci = None
    for half in range(2):
        m_h = None
        a_h = None
        for cc in range(4096 // _CODE_CHUNK):
            c0 = half * 4096 + cc * _CODE_CHUNK
            sl = pl.ds(c0, _CODE_CHUNK)
            sc = lax.dot_general(xb, cbt_ref[:, sl],
                                 (((1,), (0,)), ((), ())),
                                 preferred_element_type=jnp.float32)
            dist = (zsq + esq_ref[:, sl]) - 2.0 * sc
            lm = jnp.min(dist, axis=1, keepdims=True)
            ii = lax.broadcasted_iota(jnp.int32, dist.shape, 1)
            la = jnp.min(jnp.where(dist == lm, ii, _E), axis=1,
                         keepdims=True) + c0
            if m_h is None:
                m_h, a_h = lm, la
            else:
                take = lm < m_h
                m_h = jnp.where(take, lm, m_h)
                a_h = jnp.where(take, la, a_h)
        if accv is None:
            accv, acci = m_h.astype(jnp.bfloat16), a_h
        else:
            better = m_h < accv.astype(jnp.float32)
            acci = jnp.where(better, a_h, acci)
    idx_ref[...] = acci


def _argmin_indices(xf, zsq, esq, cbt):
    out = pl.pallas_call(
        _argmin_body,
        grid=(_N // _TOK_BLK,),
        in_specs=[
            pl.BlockSpec((_TOK_BLK, _D), lambda i: (i, 0)),
            pl.BlockSpec((_TOK_BLK, 1), lambda i: (i, 0)),
            pl.BlockSpec((1, _E), lambda i: (0, 0)),
            pl.BlockSpec((_D, _E), lambda i: (0, 0)),
        ],
        out_specs=pl.BlockSpec((_TOK_BLK, 1), lambda i: (i, 0)),
        out_shape=jax.ShapeDtypeStruct((_N, 1), jnp.int32),
    )(xf, zsq, esq, cbt)
    return out


def _sc_lookup_body(cb_hbm, idx_hbm, x_hbm, out_hbm, part_hbm,
                    idx_v, rows_v, x_v, acc_v, sem):
    cid = lax.axis_index("c")
    sid = lax.axis_index("s")
    wid = sid * 2 + cid
    base = wid * _TPW
    nch = _TPW // _GCH
    pltpu.sync_copy(idx_hbm.at[pl.ds(wid * nch, nch)], idx_v)
    pltpu.sync_copy(x_hbm.at[pl.ds(base, _TPW)], x_v)
    copies = []
    for g in range(nch):
        copies.append(pltpu.async_copy(
            cb_hbm.at[idx_v.at[g]],
            rows_v.at[pl.ds(g * _GCH, _GCH)], sem))
    for cp in copies:
        cp.wait()

    def body(i, acc):
        for h in range(_D // 16):
            zq = rows_v[i, pl.ds(h * 16, 16)]
            xx = x_v[i, pl.ds(h * 16, 16)]
            d = zq - xx
            rows_v[i, pl.ds(h * 16, 16)] = xx + d
            acc = acc + d * d
        return acc

    acc = lax.fori_loop(0, _TPW, body, jnp.zeros((16,), jnp.float32))
    acc_v[...] = acc
    pltpu.sync_copy(rows_v, out_hbm.at[pl.ds(base, _TPW)])
    pltpu.sync_copy(acc_v, part_hbm.at[wid])


@functools.cache
def _sc_lookup():
    return pl.kernel(
        _sc_lookup_body,
        out_type=[
            jax.ShapeDtypeStruct((_N, _D), jnp.float32),
            jax.ShapeDtypeStruct((_NW, 16), jnp.float32),
        ],
        mesh=plsc.VectorSubcoreMesh(core_axis_name="c", subcore_axis_name="s"),
        compiler_params=pltpu.CompilerParams(use_tc_tiling_on_sc=False),
        scratch_types=[
            pltpu.VMEM((_TPW // _GCH, _GCH), jnp.int32),
            pltpu.VMEM((_TPW, _D), jnp.float32),
            pltpu.VMEM((_TPW, _D), jnp.float32),
            pltpu.VMEM((16,), jnp.float32),
            pltpu.SemaphoreType.DMA,
        ],
    )


def kernel(x, codebook):
    B, T, P, D = x.shape
    xf = x.reshape(B * T * P, D)
    zsq = jnp.sum(xf ** 2, axis=-1, keepdims=True)
    esq = jnp.sum(codebook ** 2, axis=-1).reshape(1, _E)
    cbt = codebook.T
    idx = _argmin_indices(xf, zsq, esq, cbt)
    idx2d = idx.reshape(_N // _GCH, _GCH)
    z_q_st_flat, partials = _sc_lookup()(codebook, idx2d, xf)
    m = jnp.sum(partials) / (B * T * P * D)
    loss = m + _COMMIT * m
    z_q_st = z_q_st_flat.reshape(B, T, P, D)
    return (z_q_st, loss, idx.reshape(-1))

# --- scband reference (transcript-rebuilt; emitter-appended) ---
"""Pipeline reference for scband-vector-quantizer-5342939316377 (READ-ONLY COPY).

The authoritative reference and input builder live on the scoring server;
editing this copy changes nothing except your own understanding.
"""

import jax, jax.numpy as jnp
import numpy as np

NUM_EMBEDDINGS = 8192
LATENT_DIM = 32
COMMITMENT_COST = 0.25

def setup_inputs(seed: int = 0) -> dict:
    key = jax.random.key(seed)
    k1, k2 = jax.random.split(key)
    x = jax.random.normal(k1, (8, 16, 256, LATENT_DIM), dtype=jnp.float32)
    codebook = jax.random.uniform(k2, (NUM_EMBEDDINGS, LATENT_DIM), minval=-1.0 / NUM_EMBEDDINGS, maxval=1.0 / NUM_EMBEDDINGS, dtype=jnp.float32)
    return {"x": x, "codebook": codebook}

def reference(x, codebook):
    B, T, P, D = x.shape
    z_e_flat = x.reshape(B * T * P, D)
    z_e_sq = jnp.sum(z_e_flat ** 2, axis=-1, keepdims=True)
    e_sq = jnp.sum(codebook ** 2, axis=-1)
    ze = z_e_flat @ codebook.T
    distances = z_e_sq + e_sq - 2.0 * ze
    encoding_indices = jnp.argmin(distances, axis=-1)
    z_q = jnp.take(codebook, encoding_indices, axis=0).reshape(B, T, P, D)
    loss = jnp.mean((z_q - jax.lax.stop_gradient(x)) ** 2) + COMMITMENT_COST * jnp.mean((jax.lax.stop_gradient(z_q) - x) ** 2)
    z_q_st = x + jax.lax.stop_gradient(z_q - x)
    return (z_q_st, loss, encoding_indices)

if __name__ == "__main__":
    import jax
    _d = setup_inputs()
    print(jax.jit(kernel)(*tuple(_d.values())))

</pallas_src>

<mosaic_0001>
#map = affine_map<(d0, d1) -> (0, 0)>
module attributes {stable_mosaic.version = 14 : i64} {
  func.func @_sc_lookup_body(%arg0: i32, %arg1: i32, %arg2: memref<8192x32xf32, #tpu.memory_space<hbm>>, %arg3: memref<256x128xi32, #tpu.memory_space<hbm>>, %arg4: memref<32768x32xf32, #tpu.memory_space<hbm>>, %arg5: memref<32768x32xf32, #tpu.memory_space<hbm>>, %arg6: memref<32x16xf32, #tpu.memory_space<hbm>>, %arg7: memref<8x128xi32, #tpu.memory_space<vmem>>, %arg8: memref<1024x32xf32, #tpu.memory_space<vmem>>, %arg9: memref<1024x32xf32, #tpu.memory_space<vmem>>, %arg10: memref<16xf32, #tpu.memory_space<vmem>>, %arg11: memref<!tpu.dma_semaphore, #tpu.memory_space<semaphore_mem>>) attributes {dimension_semantics = [#tpu.dimension_semantics<core_parallel>, #tpu.dimension_semantics<subcore_parallel>], iteration_bounds = array<i64: 2, 16>, scalar_prefetch = 0 : i64, scratch_operands = 5 : i64, tpu.core_type = #tpu.core_type<sc_vector_subcore>, window_params = [{transform_indices = #map}, {transform_indices = #map}, {transform_indices = #map}, {transform_indices = #map}, {transform_indices = #map}]} {
    %mul3A = arith.constant 2 : i32
    %mul3A_0 = arith.muli %arg1, %mul3A : i32
    %add3A = arith.addi %mul3A_0, %arg0 : i32
    %mul3A_1 = arith.constant 1024 : i32
    %mul3A_2 = arith.muli %add3A, %mul3A_1 : i32
    %mul3A_3 = arith.constant 8 : i32
    %mul3A_4 = arith.muli %add3A, %mul3A_3 : i32
    "tpu.region"() ({
      %run_scoped3A = tpu.sem_alloc : memref<!tpu.dma_semaphore, #tpu.memory_space<semaphore_mem>>
      %dma_start3A_172 = arith.constant 0 : i32
      %dma_start3A_173 = tpu.memref_slice %arg3[%mul3A_4, %dma_start3A_172] : memref<256x128xi32, #tpu.memory_space<hbm>> -> memref<8x128xi32, #tpu.memory_space<hbm>>
      %dma_start3A_174 = arith.constant 0 : i32
      %dma_start3A_175 = tpu.memref_slice %arg3[%mul3A_4, %dma_start3A_174] : memref<256x128xi32, #tpu.memory_space<hbm>> -> memref<8x128xi32, #tpu.memory_space<hbm>>
      tpu.enqueue_dma source(%dma_start3A_175 : memref<8x128xi32, #tpu.memory_space<hbm>>) target(%arg7 : memref<8x128xi32, #tpu.memory_space<vmem>>) target_semaphore(%run_scoped3A : memref<!tpu.dma_semaphore, #tpu.memory_space<semaphore_mem>>)
      %dma_wait3A_176 = arith.constant 0 : i32
      %dma_wait3A_177 = tpu.memref_slice %arg3[%mul3A_4, %dma_wait3A_176] : memref<256x128xi32, #tpu.memory_space<hbm>> -> memref<8x128xi32, #tpu.memory_space<hbm>>
      %dma_wait3A_178 = arith.constant 0 : i32
      %dma_wait3A_179 = tpu.memref_slice %arg3[%mul3A_4, %dma_wait3A_178] : memref<256x128xi32, #tpu.memory_space<hbm>> -> memref<8x128xi32, #tpu.memory_space<hbm>>
      tpu.wait_dma2 semaphore(%run_scoped3A : memref<!tpu.dma_semaphore, #tpu.memory_space<semaphore_mem>>) src(%dma_wait3A_179 : memref<8x128xi32, #tpu.memory_space<hbm>>) dst(%arg7 : memref<8x128xi32, #tpu.memory_space<vmem>>)
      tpu.yield
    }) : () -> ()
    "tpu.region"() ({
      %run_scoped3A = tpu.sem_alloc : memref<!tpu.dma_semaphore, #tpu.memory_space<semaphore_mem>>
      %dma_start3A_172 = arith.constant 0 : i32
      %dma_start3A_173 = tpu.memref_slice %arg4[%mul3A_2, %dma_start3A_172] : memref<32768x32xf32, #tpu.memory_space<hbm>> -> memref<1024x32xf32, #tpu.memory_space<hbm>>
      %dma_start3A_174 = arith.constant 0 : i32
      %dma_start3A_175 = tpu.memref_slice %arg4[%mul3A_2, %dma_start3A_174] : memref<32768x32xf32, #tpu.memory_space<hbm>> -> memref<1024x32xf32, #tpu.memory_space<hbm>>
      tpu.enqueue_dma source(%dma_start3A_175 : memref<1024x32xf32, #tpu.memory_space<hbm>>) target(%arg9 : memref<1024x32xf32, #tpu.memory_space<vmem>>) target_semaphore(%run_scoped3A : memref<!tpu.dma_semaphore, #tpu.memory_space<semaphore_mem>>)
      %dma_wait3A_176 = arith.constant 0 : i32
      %dma_wait3A_177 = tpu.memref_slice %arg4[%mul3A_2, %dma_wait3A_176] : memref<32768x32xf32, #tpu.memory_space<hbm>> -> memref<1024x32xf32, #tpu.memory_space<hbm>>
      %dma_wait3A_178 = arith.constant 0 : i32
      %dma_wait3A_179 = tpu.memref_slice %arg4[%mul3A_2, %dma_wait3A_178] : memref<32768x32xf32, #tpu.memory_space<hbm>> -> memref<1024x32xf32, #tpu.memory_space<hbm>>
      tpu.wait_dma2 semaphore(%run_scoped3A : memref<!tpu.dma_semaphore, #tpu.memory_space<semaphore_mem>>) src(%dma_wait3A_179 : memref<1024x32xf32, #tpu.memory_space<hbm>>) dst(%arg9 : memref<1024x32xf32, #tpu.memory_space<vmem>>)
      tpu.yield
    }) : () -> ()
    %dma_start3A = arith.constant 0 : i32
    %dma_start3A_5 = arith.constant 0 : i32
    %dma_start3A_6 = arith.constant 0 : i32
    %dma_start3A_7 = tpu.memref_slice %arg8[%dma_start3A_5, %dma_start3A_6] : memref<1024x32xf32, #tpu.memory_space<vmem>> -> memref<128x32xf32, #tpu.memory_space<vmem>>
    %dma_start3A_8 = arith.constant 0 : i32
    %dma_start3A_9 = tpu.memref_slice %arg7[%dma_start3A, %dma_start3A_8] : memref<8x128xi32, #tpu.memory_space<vmem>> -> memref<1x128xi32, #tpu.memory_space<vmem>>
    %dma_start3A_10 = tpu.memref_squeeze %dma_start3A_9 : memref<1x128xi32, #tpu.memory_space<vmem>> -> memref<128xi32, #tpu.memory_space<vmem>>
    %dma_start3A_11 = arith.constant 0 : i32
    %dma_start3A_12 = arith.constant 0 : i32
    %dma_start3A_13 = tpu.memref_slice %arg2[%dma_start3A_11, %dma_start3A_12] : memref<8192x32xf32, #tpu.memory_space<hbm>> -> memref<8192x32xf32, #tpu.memory_space<hbm>>
    tpu.enqueue_indirect_dma source(%dma_start3A_13 : memref<8192x32xf32, #tpu.memory_space<hbm>>) target(%dma_start3A_7 : memref<128x32xf32, #tpu.memory_space<vmem>>) offsets(%dma_start3A_10 : memref<128xi32, #tpu.memory_space<vmem>>) semaphore(%arg11 : memref<!tpu.dma_semaphore, #tpu.memory_space<semaphore_mem>>)
    %dma_start3A_14 = arith.constant 1 : i32
    %dma_start3A_15 = arith.constant 128 : i32
    %dma_start3A_16 = arith.constant 0 : i32
    %dma_start3A_17 = tpu.memref_slice %arg8[%dma_start3A_15, %dma_start3A_16] : memref<1024x32xf32, #tpu.memory_space<vmem>> -> memref<128x32xf32, #tpu.memory_space<vmem>>
    %dma_start3A_18 = arith.constant 0 : i32
    %dma_start3A_19 = tpu.memref_slice %arg7[%dma_start3A_14, %dma_start3A_18] : memref<8x128xi32, #tpu.memory_space<vmem>> -> memref<1x128xi32, #tpu.memory_space<vmem>>
    %dma_start3A_20 = tpu.memref_squeeze %dma_start3A_19 : memref<1x128xi32, #tpu.memory_space<vmem>> -> memref<128xi32, #tpu.memory_space<vmem>>
    %dma_start3A_21 = arith.constant 0 : i32
    %dma_start3A_22 = arith.constant 0 : i32
    %dma_start3A_23 = tpu.memref_slice %arg2[%dma_start3A_21, %dma_start3A_22] : memref<8192x32xf32, #tpu.memory_space<hbm>> -> memref<8192x32xf32, #tpu.memory_space<hbm>>
    tpu.enqueue_indirect_dma source(%dma_start3A_23 : memref<8192x32xf32, #tpu.memory_space<hbm>>) target(%dma_start3A_17 : memref<128x32xf32, #tpu.memory_space<vmem>>) offsets(%dma_start3A_20 : memref<128xi32, #tpu.memory_space<vmem>>) semaphore(%arg11 : memref<!tpu.dma_semaphore, #tpu.memory_space<semaphore_mem>>)
    %dma_start3A_24 = arith.constant 2 : i32
    %dma_start3A_25 = arith.constant 256 : i32
    %dma_start3A_26 = arith.constant 0 : i32
    %dma_start3A_27 = tpu.memref_slice %arg8[%dma_start3A_25, %dma_start3A_26] : memref<1024x32xf32, #tpu.memory_space<vmem>> -> memref<128x32xf32, #tpu.memory_space<vmem>>
    %dma_start3A_28 = arith.constant 0 : i32
    %dma_start3A_29 = tpu.memref_slice %arg7[%dma_start3A_24, %dma_start3A_28] : memref<8x128xi32, #tpu.memory_space<vmem>> -> memref<1x128xi32, #tpu.memory_space<vmem>>
    %dma_start3A_30 = tpu.memref_squeeze %dma_start3A_29 : memref<1x128xi32, #tpu.memory_space<vmem>> -> memref<128xi32, #tpu.memory_space<vmem>>
    %dma_start3A_31 = arith.constant 0 : i32
    %dma_start3A_32 = arith.constant 0 : i32
    %dma_start3A_33 = tpu.memref_slice %arg2[%dma_start3A_31, %dma_start3A_32] : memref<8192x32xf32, #tpu.memory_space<hbm>> -> memref<8192x32xf32, #tpu.memory_space<hbm>>
    tpu.enqueue_indirect_dma source(%dma_start3A_33 : memref<8192x32xf32, #tpu.memory_space<hbm>>) target(%dma_start3A_27 : memref<128x32xf32, #tpu.memory_space<vmem>>) offsets(%dma_start3A_30 : memref<128xi32, #tpu.memory_space<vmem>>) semaphore(%arg11 : memref<!tpu.dma_semaphore, #tpu.memory_space<semaphore_mem>>)
    %dma_start3A_34 = arith.constant 3 : i32
    %dma_start3A_35 = arith.constant 384 : i32
    %dma_start3A_36 = arith.constant 0 : i32
    %dma_start3A_37 = tpu.memref_slice %arg8[%dma_start3A_35, %dma_start3A_36] : memref<1024x32xf32, #tpu.memory_space<vmem>> -> memref<128x32xf32, #tpu.memory_space<vmem>>
    %dma_start3A_38 = arith.constant 0 : i32
    %dma_start3A_39 = tpu.memref_slice %arg7[%dma_start3A_34, %dma_start3A_38] : memref<8x128xi32, #tpu.memory_space<vmem>> -> memref<1x128xi32, #tpu.memory_space<vmem>>
    %dma_start3A_40 = tpu.memref_squeeze %dma_start3A_39 : memref<1x128xi32, #tpu.memory_space<vmem>> -> memref<128xi32, #tpu.memory_space<vmem>>
    %dma_start3A_41 = arith.constant 0 : i32
    %dma_start3A_42 = arith.constant 0 : i32
    %dma_start3A_43 = tpu.memref_slice %arg2[%dma_start3A_41, %dma_start3A_42] : memref<8192x32xf32, #tpu.memory_space<hbm>> -> memref<8192x32xf32, #tpu.memory_space<hbm>>
    tpu.enqueue_indirect_dma source(%dma_start3A_43 : memref<8192x32xf32, #tpu.memory_space<hbm>>) target(%dma_start3A_37 : memref<128x32xf32, #tpu.memory_space<vmem>>) offsets(%dma_start3A_40 : memref<128xi32, #tpu.memory_space<vmem>>) semaphore(%arg11 : memref<!tpu.dma_semaphore, #tpu.memory_space<semaphore_mem>>)
    %dma_start3A_44 = arith.constant 4 : i32
    %dma_start3A_45 = arith.constant 512 : i32
    %dma_start3A_46 = arith.constant 0 : i32
    %dma_start3A_47 = tpu.memref_slice %arg8[%dma_start3A_45, %dma_start3A_46] : memref<1024x32xf32, #tpu.memory_space<vmem>> -> memref<128x32xf32, #tpu.memory_space<vmem>>
    %dma_start3A_48 = arith.constant 0 : i32
    %dma_start3A_49 = tpu.memref_slice %arg7[%dma_start3A_44, %dma_start3A_48] : memref<8x128xi32, #tpu.memory_space<vmem>> -> memref<1x128xi32, #tpu.memory_space<vmem>>
    %dma_start3A_50 = tpu.memref_squeeze %dma_start3A_49 : memref<1x128xi32, #tpu.memory_space<vmem>> -> memref<128xi32, #tpu.memory_space<vmem>>
    %dma_start3A_51 = arith.constant 0 : i32
    %dma_start3A_52 = arith.constant 0 : i32
    %dma_start3A_53 = tpu.memref_slice %arg2[%dma_start3A_51, %dma_start3A_52] : memref<8192x32xf32, #tpu.memory_space<hbm>> -> memref<8192x32xf32, #tpu.memory_space<hbm>>
    tpu.enqueue_indirect_dma source(%dma_start3A_53 : memref<8192x32xf32, #tpu.memory_space<hbm>>) target(%dma_start3A_47 : memref<128x32xf32, #tpu.memory_space<vmem>>) offsets(%dma_start3A_50 : memref<128xi32, #tpu.memory_space<vmem>>) semaphore(%arg11 : memref<!tpu.dma_semaphore, #tpu.memory_space<semaphore_mem>>)
    %dma_start3A_54 = arith.constant 5 : i32
    %dma_start3A_55 = arith.constant 640 : i32
    %dma_start3A_56 = arith.constant 0 : i32
    %dma_start3A_57 = tpu.memref_slice %arg8[%dma_start3A_55, %dma_start3A_56] : memref<1024x32xf32, #tpu.memory_space<vmem>> -> memref<128x32xf32, #tpu.memory_space<vmem>>
    %dma_start3A_58 = arith.constant 0 : i32
    %dma_start3A_59 = tpu.memref_slice %arg7[%dma_start3A_54, %dma_start3A_58] : memref<8x128xi32, #tpu.memory_space<vmem>> -> memref<1x128xi32, #tpu.memory_space<vmem>>
    %dma_start3A_60 = tpu.memref_squeeze %dma_start3A_59 : memref<1x128xi32, #tpu.memory_space<vmem>> -> memref<128xi32, #tpu.memory_space<vmem>>
    %dma_start3A_61 = arith.constant 0 : i32
    %dma_start3A_62 = arith.constant 0 : i32
    %dma_start3A_63 = tpu.memref_slice %arg2[%dma_start3A_61, %dma_start3A_62] : memref<8192x32xf32, #tpu.memory_space<hbm>> -> memref<8192x32xf32, #tpu.memory_space<hbm>>
    tpu.enqueue_indirect_dma source(%dma_start3A_63 : memref<8192x32xf32, #tpu.memory_space<hbm>>) target(%dma_start3A_57 : memref<128x32xf32, #tpu.memory_space<vmem>>) offsets(%dma_start3A_60 : memref<128xi32, #tpu.memory_space<vmem>>) semaphore(%arg11 : memref<!tpu.dma_semaphore, #tpu.memory_space<semaphore_mem>>)
    %dma_start3A_64 = arith.constant 6 : i32
    %dma_start3A_65 = arith.constant 768 : i32
    %dma_start3A_66 = arith.constant 0 : i32
    %dma_start3A_67 = tpu.memref_slice %arg8[%dma_start3A_65, %dma_start3A_66] : memref<1024x32xf32, #tpu.memory_space<vmem>> -> memref<128x32xf32, #tpu.memory_space<vmem>>
    %dma_start3A_68 = arith.constant 0 : i32
    %dma_start3A_69 = tpu.memref_slice %arg7[%dma_start3A_64, %dma_start3A_68] : memref<8x128xi32, #tpu.memory_space<vmem>> -> memref<1x128xi32, #tpu.memory_space<vmem>>
    %dma_start3A_70 = tpu.memref_squeeze %dma_start3A_69 : memref<1x128xi32, #tpu.memory_space<vmem>> -> memref<128xi32, #tpu.memory_space<vmem>>
    %dma_start3A_71 = arith.constant 0 : i32
    %dma_start3A_72 = arith.constant 0 : i32
    %dma_start3A_73 = tpu.memref_slice %arg2[%dma_start3A_71, %dma_start3A_72] : memref<8192x32xf32, #tpu.memory_space<hbm>> -> memref<8192x32xf32, #tpu.memory_space<hbm>>
    tpu.enqueue_indirect_dma source(%dma_start3A_73 : memref<8192x32xf32, #tpu.memory_space<hbm>>) target(%dma_start3A_67 : memref<128x32xf32, #tpu.memory_space<vmem>>) offsets(%dma_start3A_70 : memref<128xi32, #tpu.memory_space<vmem>>) semaphore(%arg11 : memref<!tpu.dma_semaphore, #tpu.memory_space<semaphore_mem>>)
    %dma_start3A_74 = arith.constant 7 : i32
    %dma_start3A_75 = arith.constant 896 : i32
    %dma_start3A_76 = arith.constant 0 : i32
    %dma_start3A_77 = tpu.memref_slice %arg8[%dma_start3A_75, %dma_start3A_76] : memref<1024x32xf32, #tpu.memory_space<vmem>> -> memref<128x32xf32, #tpu.memory_space<vmem>>
    %dma_start3A_78 = arith.constant 0 : i32
    %dma_start3A_79 = tpu.memref_slice %arg7[%dma_start3A_74, %dma_start3A_78] : memref<8x128xi32, #tpu.memory_space<vmem>> -> memref<1x128xi32, #tpu.memory_space<vmem>>
    %dma_start3A_80 = tpu.memref_squeeze %dma_start3A_79 : memref<1x128xi32, #tpu.memory_space<vmem>> -> memref<128xi32, #tpu.memory_space<vmem>>
    %dma_start3A_81 = arith.constant 0 : i32
    %dma_start3A_82 = arith.constant 0 : i32
    %dma_start3A_83 = tpu.memref_slice %arg2[%dma_start3A_81, %dma_start3A_82] : memref<8192x32xf32, #tpu.memory_space<hbm>> -> memref<8192x32xf32, #tpu.memory_space<hbm>>
    tpu.enqueue_indirect_dma source(%dma_start3A_83 : memref<8192x32xf32, #tpu.memory_space<hbm>>) target(%dma_start3A_77 : memref<128x32xf32, #tpu.memory_space<vmem>>) offsets(%dma_start3A_80 : memref<128xi32, #tpu.memory_space<vmem>>) semaphore(%arg11 : memref<!tpu.dma_semaphore, #tpu.memory_space<semaphore_mem>>)
    %dma_wait3A = arith.constant 0 : i32
    %dma_wait3A_84 = arith.constant 0 : i32
    %dma_wait3A_85 = arith.constant 0 : i32
    %dma_wait3A_86 = tpu.memref_slice %arg8[%dma_wait3A_84, %dma_wait3A_85] : memref<1024x32xf32, #tpu.memory_space<vmem>> -> memref<128x32xf32, #tpu.memory_space<vmem>>
    %dma_wait3A_87 = arith.constant 0 : i32
    %dma_wait3A_88 = tpu.memref_slice %arg7[%dma_wait3A, %dma_wait3A_87] : memref<8x128xi32, #tpu.memory_space<vmem>> -> memref<1x128xi32, #tpu.memory_space<vmem>>
    %dma_wait3A_89 = tpu.memref_squeeze %dma_wait3A_88 : memref<1x128xi32, #tpu.memory_space<vmem>> -> memref<128xi32, #tpu.memory_space<vmem>>
    %dma_wait3A_90 = arith.constant 0 : i32
    %dma_wait3A_91 = arith.constant 0 : i32
    %dma_wait3A_92 = tpu.memref_slice %arg2[%dma_wait3A_90, %dma_wait3A_91] : memref<8192x32xf32, #tpu.memory_space<hbm>> -> memref<8192x32xf32, #tpu.memory_space<hbm>>
    tpu.wait_indirect_dma semaphore(%arg11 : memref<!tpu.dma_semaphore, #tpu.memory_space<semaphore_mem>>) src(%dma_wait3A_92 : memref<8192x32xf32, #tpu.memory_space<hbm>>) dst(%dma_wait3A_86 : memref<128x32xf32, #tpu.memory_space<vmem>>)
    %dma_wait3A_93 = arith.constant 1 : i32
    %dma_wait3A_94 = arith.constant 128 : i32
    %dma_wait3A_95 = arith.constant 0 : i32
    %dma_wait3A_96 = tpu.memref_slice %arg8[%dma_wait3A_94, %dma_wait3A_95] : memref<1024x32xf32, #tpu.memory_space<vmem>> -> memref<128x32xf32, #tpu.memory_space<vmem>>
    %dma_wait3A_97 = arith.constant 0 : i32
    %dma_wait3A_98 = tpu.memref_slice %arg7[%dma_wait3A_93, %dma_wait3A_97] : memref<8x128xi32, #tpu.memory_space<vmem>> -> memref<1x128xi32, #tpu.memory_space<vmem>>
    %dma_wait3A_99 = tpu.memref_squeeze %dma_wait3A_98 : memref<1x128xi32, #tpu.memory_space<vmem>> -> memref<128xi32, #tpu.memory_space<vmem>>
    %dma_wait3A_100 = arith.constant 0 : i32
    %dma_wait3A_101 = arith.constant 0 : i32
    %dma_wait3A_102 = tpu.memref_slice %arg2[%dma_wait3A_100, %dma_wait3A_101] : memref<8192x32xf32, #tpu.memory_space<hbm>> -> memref<8192x32xf32, #tpu.memory_space<hbm>>
    tpu.wait_indirect_dma semaphore(%arg11 : memref<!tpu.dma_semaphore, #tpu.memory_space<semaphore_mem>>) src(%dma_wait3A_102 : memref<8192x32xf32, #tpu.memory_space<hbm>>) dst(%dma_wait3A_96 : memref<128x32xf32, #tpu.memory_space<vmem>>)
    %dma_wait3A_103 = arith.constant 2 : i32
    %dma_wait3A_104 = arith.constant 256 : i32
    %dma_wait3A_105 = arith.constant 0 : i32
    %dma_wait3A_106 = tpu.memref_slice %arg8[%dma_wait3A_104, %dma_wait3A_105] : memref<1024x32xf32, #tpu.memory_space<vmem>> -> memref<128x32xf32, #tpu.memory_space<vmem>>
    %dma_wait3A_107 = arith.constant 0 : i32
    %dma_wait3A_108 = tpu.memref_slice %arg7[%dma_wait3A_103, %dma_wait3A_107] : memref<8x128xi32, #tpu.memory_space<vmem>> -> memref<1x128xi32, #tpu.memory_space<vmem>>
    %dma_wait3A_109 = tpu.memref_squeeze %dma_wait3A_108 : memref<1x128xi32, #tpu.memory_space<vmem>> -> memref<128xi32, #tpu.memory_space<vmem>>
    %dma_wait3A_110 = arith.constant 0 : i32
    %dma_wait3A_111 = arith.constant 0 : i32
    %dma_wait3A_112 = tpu.memref_slice %arg2[%dma_wait3A_110, %dma_wait3A_111] : memref<8192x32xf32, #tpu.memory_space<hbm>> -> memref<8192x32xf32, #tpu.memory_space<hbm>>
    tpu.wait_indirect_dma semaphore(%arg11 : memref<!tpu.dma_semaphore, #tpu.memory_space<semaphore_mem>>) src(%dma_wait3A_112 : memref<8192x32xf32, #tpu.memory_space<hbm>>) dst(%dma_wait3A_106 : memref<128x32xf32, #tpu.memory_space<vmem>>)
    %dma_wait3A_113 = arith.constant 3 : i32
    %dma_wait3A_114 = arith.constant 384 : i32
    %dma_wait3A_115 = arith.constant 0 : i32
    %dma_wait3A_116 = tpu.memref_slice %arg8[%dma_wait3A_114, %dma_wait3A_115] : memref<1024x32xf32, #tpu.memory_space<vmem>> -> memref<128x32xf32, #tpu.memory_space<vmem>>
    %dma_wait3A_117 = arith.constant 0 : i32
    %dma_wait3A_118 = tpu.memref_slice %arg7[%dma_wait3A_113, %dma_wait3A_117] : memref<8x128xi32, #tpu.memory_space<vmem>> -> memref<1x128xi32, #tpu.memory_space<vmem>>
    %dma_wait3A_119 = tpu.memref_squeeze %dma_wait3A_118 : memref<1x128xi32, #tpu.memory_space<vmem>> -> memref<128xi32, #tpu.memory_space<vmem>>
    %dma_wait3A_120 = arith.constant 0 : i32
    %dma_wait3A_121 = arith.constant 0 : i32
    %dma_wait3A_122 = tpu.memref_slice %arg2[%dma_wait3A_120, %dma_wait3A_121] : memref<8192x32xf32, #tpu.memory_space<hbm>> -> memref<8192x32xf32, #tpu.memory_space<hbm>>
    tpu.wait_indirect_dma semaphore(%arg11 : memref<!tpu.dma_semaphore, #tpu.memory_space<semaphore_mem>>) src(%dma_wait3A_122 : memref<8192x32xf32, #tpu.memory_space<hbm>>) dst(%dma_wait3A_116 : memref<128x32xf32, #tpu.memory_space<vmem>>)
    %dma_wait3A_123 = arith.constant 4 : i32
    %dma_wait3A_124 = arith.constant 512 : i32
    %dma_wait3A_125 = arith.constant 0 : i32
    %dma_wait3A_126 = tpu.memref_slice %arg8[%dma_wait3A_124, %dma_wait3A_125] : memref<1024x32xf32, #tpu.memory_space<vmem>> -> memref<128x32xf32, #tpu.memory_space<vmem>>
    %dma_wait3A_127 = arith.constant 0 : i32
    %dma_wait3A_128 = tpu.memref_slice %arg7[%dma_wait3A_123, %dma_wait3A_127] : memref<8x128xi32, #tpu.memory_space<vmem>> -> memref<1x128xi32, #tpu.memory_space<vmem>>
    %dma_wait3A_129 = tpu.memref_squeeze %dma_wait3A_128 : memref<1x128xi32, #tpu.memory_space<vmem>> -> memref<128xi32, #tpu.memory_space<vmem>>
    %dma_wait3A_130 = arith.constant 0 : i32
    %dma_wait3A_131 = arith.constant 0 : i32
    %dma_wait3A_132 = tpu.memref_slice %arg2[%dma_wait3A_130, %dma_wait3A_131] : memref<8192x32xf32, #tpu.memory_space<hbm>> -> memref<8192x32xf32, #tpu.memory_space<hbm>>
    tpu.wait_indirect_dma semaphore(%arg11 : memref<!tpu.dma_semaphore, #tpu.memory_space<semaphore_mem>>) src(%dma_wait3A_132 : memref<8192x32xf32, #tpu.memory_space<hbm>>) dst(%dma_wait3A_126 : memref<128x32xf32, #tpu.memory_space<vmem>>)
    %dma_wait3A_133 = arith.constant 5 : i32
    %dma_wait3A_134 = arith.constant 640 : i32
    %dma_wait3A_135 = arith.constant 0 : i32
    %dma_wait3A_136 = tpu.memref_slice %arg8[%dma_wait3A_134, %dma_wait3A_135] : memref<1024x32xf32, #tpu.memory_space<vmem>> -> memref<128x32xf32, #tpu.memory_space<vmem>>
    %dma_wait3A_137 = arith.constant 0 : i32
    %dma_wait3A_138 = tpu.memref_slice %arg7[%dma_wait3A_133, %dma_wait3A_137] : memref<8x128xi32, #tpu.memory_space<vmem>> -> memref<1x128xi32, #tpu.memory_space<vmem>>
    %dma_wait3A_139 = tpu.memref_squeeze %dma_wait3A_138 : memref<1x128xi32, #tpu.memory_space<vmem>> -> memref<128xi32, #tpu.memory_space<vmem>>
    %dma_wait3A_140 = arith.constant 0 : i32
    %dma_wait3A_141 = arith.constant 0 : i32
    %dma_wait3A_142 = tpu.memref_slice %arg2[%dma_wait3A_140, %dma_wait3A_141] : memref<8192x32xf32, #tpu.memory_space<hbm>> -> memref<8192x32xf32, #tpu.memory_space<hbm>>
    tpu.wait_indirect_dma semaphore(%arg11 : memref<!tpu.dma_semaphore, #tpu.memory_space<semaphore_mem>>) src(%dma_wait3A_142 : memref<8192x32xf32, #tpu.memory_space<hbm>>) dst(%dma_wait3A_136 : memref<128x32xf32, #tpu.memory_space<vmem>>)
    %dma_wait3A_143 = arith.constant 6 : i32
    %dma_wait3A_144 = arith.constant 768 : i32
    %dma_wait3A_145 = arith.constant 0 : i32
    %dma_wait3A_146 = tpu.memref_slice %arg8[%dma_wait3A_144, %dma_wait3A_145] : memref<1024x32xf32, #tpu.memory_space<vmem>> -> memref<128x32xf32, #tpu.memory_space<vmem>>
    %dma_wait3A_147 = arith.constant 0 : i32
    %dma_wait3A_148 = tpu.memref_slice %arg7[%dma_wait3A_143, %dma_wait3A_147] : memref<8x128xi32, #tpu.memory_space<vmem>> -> memref<1x128xi32, #tpu.memory_space<vmem>>
    %dma_wait3A_149 = tpu.memref_squeeze %dma_wait3A_148 : memref<1x128xi32, #tpu.memory_space<vmem>> -> memref<128xi32, #tpu.memory_space<vmem>>
    %dma_wait3A_150 = arith.constant 0 : i32
    %dma_wait3A_151 = arith.constant 0 : i32
    %dma_wait3A_152 = tpu.memref_slice %arg2[%dma_wait3A_150, %dma_wait3A_151] : memref<8192x32xf32, #tpu.memory_space<hbm>> -> memref<8192x32xf32, #tpu.memory_space<hbm>>
    tpu.wait_indirect_dma semaphore(%arg11 : memref<!tpu.dma_semaphore, #tpu.memory_space<semaphore_mem>>) src(%dma_wait3A_152 : memref<8192x32xf32, #tpu.memory_space<hbm>>) dst(%dma_wait3A_146 : memref<128x32xf32, #tpu.memory_space<vmem>>)
    %dma_wait3A_153 = arith.constant 7 : i32
    %dma_wait3A_154 = arith.constant 896 : i32
    %dma_wait3A_155 = arith.constant 0 : i32
    %dma_wait3A_156 = tpu.memref_slice %arg8[%dma_wait3A_154, %dma_wait3A_155] : memref<1024x32xf32, #tpu.memory_space<vmem>> -> memref<128x32xf32, #tpu.memory_space<vmem>>
    %dma_wait3A_157 = arith.constant 0 : i32
    %dma_wait3A_158 = tpu.memref_slice %arg7[%dma_wait3A_153, %dma_wait3A_157] : memref<8x128xi32, #tpu.memory_space<vmem>> -> memref<1x128xi32, #tpu.memory_space<vmem>>
    %dma_wait3A_159 = tpu.memref_squeeze %dma_wait3A_158 : memref<1x128xi32, #tpu.memory_space<vmem>> -> memref<128xi32, #tpu.memory_space<vmem>>
    %dma_wait3A_160 = arith.constant 0 : i32
    %dma_wait3A_161 = arith.constant 0 : i32
    %dma_wait3A_162 = tpu.memref_slice %arg2[%dma_wait3A_160, %dma_wait3A_161] : memref<8192x32xf32, #tpu.memory_space<hbm>> -> memref<8192x32xf32, #tpu.memory_space<hbm>>
    tpu.wait_indirect_dma semaphore(%arg11 : memref<!tpu.dma_semaphore, #tpu.memory_space<semaphore_mem>>) src(%dma_wait3A_162 : memref<8192x32xf32, #tpu.memory_space<hbm>>) dst(%dma_wait3A_156 : memref<128x32xf32, #tpu.memory_space<vmem>>)
    %broadcast_in_dim3A = arith.constant 0.000000e+00 : f32
    %broadcast_in_dim3A_163 = vector.broadcast %broadcast_in_dim3A : f32 to vector<16xf32>
    %scan3A = arith.constant 0 : i32
    %scan3A_164 = arith.constant 1024 : i32
    %scan3A_165 = arith.addi %scan3A, %scan3A_164 : i32
    %scan3A_166 = arith.constant 1 : i32
    %scan3A_167 = scf.for %scan3A_172 = %scan3A to %scan3A_165 step %scan3A_166 iter_args(%scan3A_173 = %broadcast_in_dim3A_163) -> (vector<16xf32>)  : i32 {
      %get3A = arith.index_cast %scan3A_172 : i32 to index
      %get3A_174 = arith.constant 0 : index
      %get3A_175 = tpu.vector_load %arg8[%get3A, %get3A_174] {strides = array<i32>} : memref<1024x32xf32, #tpu.memory_space<vmem>>, vector<1x16xf32>,
      %get3A_176 = vector.shape_cast %get3A_175 : vector<1x16xf32> to vector<16xf32>
      %get3A_177 = arith.index_cast %scan3A_172 : i32 to index
      %get3A_178 = arith.constant 0 : index
      %get3A_179 = tpu.vector_load %arg9[%get3A_177, %get3A_178] {strides = array<i32>} : memref<1024x32xf32, #tpu.memory_space<vmem>>, vector<1x16xf32>,
      %get3A_180 = vector.shape_cast %get3A_179 : vector<1x16xf32> to vector<16xf32>
      %sub3A = arith.subf %get3A_176, %get3A_180 : vector<16xf32>
      %add3A_181 = arith.addf %get3A_180, %sub3A : vector<16xf32>
      %swap3A_182 = arith.index_cast %scan3A_172 : i32 to index
      %swap3A_183 = arith.constant 0 : index
      %swap3A_184 = tpu.vector_load %arg8[%swap3A_182, %swap3A_183] {strides = array<i32>} : memref<1024x32xf32, #tpu.memory_space<vmem>>, vector<1x16xf32>,
      %swap3A_185 = vector.shape_cast %swap3A_184 : vector<1x16xf32> to vector<16xf32>
      %swap3A_186 = vector.shape_cast %add3A_181 : vector<16xf32> to vector<1x16xf32>
      tpu.vector_store %arg8[%swap3A_182, %swap3A_183], %swap3A_186 {strides = array<i32>} : memref<1024x32xf32, #tpu.memory_space<vmem>>, vector<1x16xf32>,
      %mul3A_187 = arith.mulf %sub3A, %sub3A : vector<16xf32>
      %add3A_188 = arith.addf %scan3A_173, %mul3A_187 : vector<16xf32>
      %get3A_189 = arith.index_cast %scan3A_172 : i32 to index
      %get3A_190 = arith.constant 16 : index
      %get3A_191 = tpu.vector_load %arg8[%get3A_189, %get3A_190] {strides = array<i32>} : memref<1024x32xf32, #tpu.memory_space<vmem>>, vector<1x16xf32>,
      %get3A_192 = vector.shape_cast %get3A_191 : vector<1x16xf32> to vector<16xf32>
      %get3A_193 = arith.index_cast %scan3A_172 : i32 to index
      %get3A_194 = arith.constant 16 : index
      %get3A_195 = tpu.vector_load %arg9[%get3A_193, %get3A_194] {strides = array<i32>} : memref<1024x32xf32, #tpu.memory_space<vmem>>, vector<1x16xf32>,
      %get3A_196 = vector.shape_cast %get3A_195 : vector<1x16xf32> to vector<16xf32>
      %sub3A_197 = arith.subf %get3A_192, %get3A_196 : vector<16xf32>
      %add3A_198 = arith.addf %get3A_196, %sub3A_197 : vector<16xf32>
      %swap3A_199 = arith.index_cast %scan3A_172 : i32 to index
      %swap3A_200 = arith.constant 16 : index
      %swap3A_201 = tpu.vector_load %arg8[%swap3A_199, %swap3A_200] {strides = array<i32>} : memref<1024x32xf32, #tpu.memory_space<vmem>>, vector<1x16xf32>,
      %swap3A_202 = vector.shape_cast %swap3A_201 : vector<1x16xf32> to vector<16xf32>
      %swap3A_203 = vector.shape_cast %add3A_198 : vector<16xf32> to vector<1x16xf32>
      tpu.vector_store %arg8[%swap3A_199, %swap3A_200], %swap3A_203 {strides = array<i32>} : memref<1024x32xf32, #tpu.memory_space<vmem>>, vector<1x16xf32>,
      %mul3A_204 = arith.mulf %sub3A_197, %sub3A_197 : vector<16xf32>
      %add3A_205 = arith.addf %add3A_188, %mul3A_204 : vector<16xf32>
      scf.yield %add3A_205 : vector<16xf32>
    }
    %scan3A_168 = arith.constant 1024 : i32
    %swap3A = arith.constant 0 : index
    %swap3A_169 = tpu.vector_load %arg10[%swap3A] {strides = array<i32>} : memref<16xf32, #tpu.memory_space<vmem>>, vector<16xf32>,
    %swap3A_170 = vector.shape_cast %swap3A_169 : vector<16xf32> to vector<16xf32>
    %swap3A_171 = vector.shape_cast %scan3A_167 : vector<16xf32> to vector<16xf32>
    tpu.vector_store %arg10[%swap3A], %swap3A_171 {strides = array<i32>} : memref<16xf32, #tpu.memory_space<vmem>>, vector<16xf32>,
    "tpu.region"() ({
      %run_scoped3A = tpu.sem_alloc : memref<!tpu.dma_semaphore, #tpu.memory_space<semaphore_mem>>
      %dma_start3A_172 = arith.constant 0 : i32
      %dma_start3A_173 = tpu.memref_slice %arg5[%mul3A_2, %dma_start3A_172] : memref<32768x32xf32, #tpu.memory_space<hbm>> -> memref<1024x32xf32, #tpu.memory_space<hbm>>
      %dma_start3A_174 = arith.constant 0 : i32
      %dma_start3A_175 = tpu.memref_slice %arg5[%mul3A_2, %dma_start3A_174] : memref<32768x32xf32, #tpu.memory_space<hbm>> -> memref<1024x32xf32, #tpu.memory_space<hbm>>
      tpu.enqueue_dma source(%arg8 : memref<1024x32xf32, #tpu.memory_space<vmem>>) target(%dma_start3A_175 : memref<1024x32xf32, #tpu.memory_space<hbm>>) target_semaphore(%run_scoped3A : memref<!tpu.dma_semaphore, #tpu.memory_space<semaphore_mem>>)
      %dma_wait3A_176 = arith.constant 0 : i32
      %dma_wait3A_177 = tpu.memref_slice %arg5[%mul3A_2, %dma_wait3A_176] : memref<32768x32xf32, #tpu.memory_space<hbm>> -> memref<1024x32xf32, #tpu.memory_space<hbm>>
      %dma_wait3A_178 = arith.constant 0 : i32
      %dma_wait3A_179 = tpu.memref_slice %arg5[%mul3A_2, %dma_wait3A_178] : memref<32768x32xf32, #tpu.memory_space<hbm>> -> memref<1024x32xf32, #tpu.memory_space<hbm>>
      tpu.wait_dma2 semaphore(%run_scoped3A : memref<!tpu.dma_semaphore, #tpu.memory_space<semaphore_mem>>) src(%arg8 : memref<1024x32xf32, #tpu.memory_space<vmem>>) dst(%dma_wait3A_179 : memref<1024x32xf32, #tpu.memory_space<hbm>>)
      tpu.yield
    }) : () -> ()
    "tpu.region"() ({
      %run_scoped3A = tpu.sem_alloc : memref<!tpu.dma_semaphore, #tpu.memory_space<semaphore_mem>>
      %dma_start3A_172 = arith.constant 0 : i32
      %dma_start3A_173 = tpu.memref_slice %arg6[%add3A, %dma_start3A_172] : memref<32x16xf32, #tpu.memory_space<hbm>> -> memref<1x16xf32, #tpu.memory_space<hbm>>
      %dma_start3A_174 = tpu.memref_squeeze %dma_start3A_173 : memref<1x16xf32, #tpu.memory_space<hbm>> -> memref<16xf32, #tpu.memory_space<hbm>>
      %dma_start3A_175 = arith.constant 0 : i32
      %dma_start3A_176 = tpu.memref_slice %arg6[%add3A, %dma_start3A_175] : memref<32x16xf32, #tpu.memory_space<hbm>> -> memref<1x16xf32, #tpu.memory_space<hbm>>
      %dma_start3A_177 = tpu.memref_squeeze %dma_start3A_176 : memref<1x16xf32, #tpu.memory_space<hbm>> -> memref<16xf32, #tpu.memory_space<hbm>>
      tpu.enqueue_dma source(%arg10 : memref<16xf32, #tpu.memory_space<vmem>>) target(%dma_start3A_177 : memref<16xf32, #tpu.memory_space<hbm>>) target_semaphore(%run_scoped3A : memref<!tpu.dma_semaphore, #tpu.memory_space<semaphore_mem>>)
      %dma_wait3A_178 = arith.constant 0 : i32
      %dma_wait3A_179 = tpu.memref_slice %arg6[%add3A, %dma_wait3A_178] : memref<32x16xf32, #tpu.memory_space<hbm>> -> memref<1x16xf32, #tpu.memory_space<hbm>>
      %dma_wait3A_180 = tpu.memref_squeeze %dma_wait3A_179 : memref<1x16xf32, #tpu.memory_space<hbm>> -> memref<16xf32, #tpu.memory_space<hbm>>
      %dma_wait3A_181 = arith.constant 0 : i32
      %dma_wait3A_182 = tpu.memref_slice %arg6[%add3A, %dma_wait3A_181] : memref<32x16xf32, #tpu.memory_space<hbm>> -> memref<1x16xf32, #tpu.memory_space<hbm>>
      %dma_wait3A_183 = tpu.memref_squeeze %dma_wait3A_182 : memref<1x16xf32, #tpu.memory_space<hbm>> -> memref<16xf32, #tpu.memory_space<hbm>>
      tpu.wait_dma2 semaphore(%run_scoped3A : memref<!tpu.dma_semaphore, #tpu.memory_space<semaphore_mem>>) src(%arg10 : memref<16xf32, #tpu.memory_space<vmem>>) dst(%dma_wait3A_183 : memref<16xf32, #tpu.memory_space<hbm>>)
      tpu.yield
    }) : () -> ()
    return
  }
}

module attributes {stable_mosaic.version = 14 : i64} {
  func.func @_argmin_body(%arg0: i32, %arg1: memref<2048x32xf32, #tpu.memory_space<vmem>>, %arg2: memref<2048x1xf32, #tpu.memory_space<vmem>>, %arg3: memref<1x8192xf32, #tpu.memory_space<vmem>>, %arg4: memref<32x8192xf32, #tpu.memory_space<vmem>>, %arg5: memref<2048x1xi32, #tpu.memory_space<vmem>>) attributes {dimension_semantics = [#tpu.dimension_semantics<arbitrary>], iteration_bounds = array<i64: 16>, scalar_prefetch = 0 : i64, scratch_operands = 0 : i64, tpu.core_type = #tpu.core_type<tc>, window_params = [{transform_indices = @transform_0, window_bounds = array<i64: 2048, 32>}, {transform_indices = @transform_1, window_bounds = array<i64: 2048, 1>}, {pipeline_mode = #tpu.pipeline_mode<synchronous>, transform_indices = @transform_2, window_bounds = array<i64: 1, 8192>}, {pipeline_mode = #tpu.pipeline_mode<synchronous>, transform_indices = @transform_3, window_bounds = array<i64: 32, 8192>}, {transform_indices = @transform_4, window_bounds = array<i64: 2048, 1>}]} {
    %get3A = arith.constant 0 : index
    %get3A_0 = arith.constant 0 : index
    %get3A_1 = vector.load %arg1[%get3A, %get3A_0] : memref<2048x32xf32, #tpu.memory_space<vmem>>, vector<2048x32xf32>
    %get3A_2 = arith.constant 0 : index
    %get3A_3 = arith.constant 0 : index
    %get3A_4 = vector.load %arg2[%get3A_2, %get3A_3] : memref<2048x1xf32, #tpu.memory_space<vmem>>, vector<2048x1xf32>
    %get3A_5 = arith.constant 0 : index
    %get3A_6 = arith.constant 0 : index
    %get3A_7 = vector.load %arg4[%get3A_5, %get3A_6] : memref<32x8192xf32, #tpu.memory_space<vmem>>, vector<32x2048xf32>
    %dot_general3A = arith.constant dense<0.000000e+00> : vector<2048x2048xf32>
    %dot_general3A_8 = tpu.matmul %get3A_1, %get3A_7, %dot_general3A {dimension_numbers = #tpu.dot_dimension_numbers<[1], [0], [0], [1], [0, 0, 1, 1], [], []>, transpose_lhs_hint = false} : vector<2048x32xf32>, vector<32x2048xf32>, vector<2048x2048xf32> -> vector<2048x2048xf32>
    %get3A_9 = arith.constant 0 : index
    %get3A_10 = arith.constant 0 : index
    %get3A_11 = vector.load %arg3[%get3A_9, %get3A_10] : memref<1x8192xf32, #tpu.memory_space<vmem>>, vector<1x2048xf32>
    %add3A = vector.broadcast %get3A_4 : vector<2048x1xf32> to vector<2048x2048xf32>
    %add3A_12 = vector.broadcast %get3A_11 : vector<1x2048xf32> to vector<2048x2048xf32>
    %add3A_13 = arith.addf %add3A, %add3A_12 : vector<2048x2048xf32>
    %mul3A = arith.constant 2.000000e+00 : f32
    %mul3A_14 = vector.broadcast %mul3A : f32 to vector<2048x2048xf32>
    %mul3A_15 = arith.mulf %mul3A_14, %dot_general3A_8 : vector<2048x2048xf32>
    %sub3A = arith.subf %add3A_13, %mul3A_15 : vector<2048x2048xf32>
    %reduce_min3A = arith.constant dense<0x7F800000> : vector<2048xf32>
    %reduce_min3A_16 = vector.multi_reduction <minimumf>, %sub3A, %reduce_min3A [1] : vector<2048x2048xf32> to vector<2048xf32>
    %broadcast_in_dim3A = vector.shape_cast %reduce_min3A_16 : vector<2048xf32> to vector<2048x1xf32>
    %iota3A = tpu.iota {dimensions = array<i32: 1>} : vector<2048x2048xi32>
    %eq3A = vector.broadcast %broadcast_in_dim3A : vector<2048x1xf32> to vector<2048x2048xf32>
    %eq3A_17 = arith.cmpf oeq, %sub3A, %eq3A : vector<2048x2048xf32>
    %jit3A = arith.constant 8192 : i32
    %broadcast_in_dim3A_18 = vector.broadcast %jit3A : i32 to vector<2048x2048xi32>
    %select_n3A = arith.select %eq3A_17, %iota3A, %broadcast_in_dim3A_18 : vector<2048x2048xi1>, vector<2048x2048xi32>
    %reduce_min3A_19 = arith.constant dense<2147483647> : vector<2048xi32>
    %reduce_min3A_20 = vector.multi_reduction <minsi>, %select_n3A, %reduce_min3A_19 [1] : vector<2048x2048xi32> to vector<2048xi32>
    %broadcast_in_dim3A_21 = vector.shape_cast %reduce_min3A_20 : vector<2048xi32> to vector<2048x1xi32>
    %add3A_22 = arith.constant 0 : i32
    %add3A_23 = vector.broadcast %add3A_22 : i32 to vector<2048x1xi32>
    %add3A_24 = arith.addi %broadcast_in_dim3A_21, %add3A_23 : vector<2048x1xi32>
    %get3A_25 = arith.constant 0 : index
    %get3A_26 = arith.constant 2048 : index
    %get3A_27 = vector.load %arg4[%get3A_25, %get3A_26] : memref<32x8192xf32, #tpu.memory_space<vmem>>, vector<32x2048xf32>
    %dot_general3A_28 = arith.constant dense<0.000000e+00> : vector<2048x2048xf32>
    %dot_general3A_29 = tpu.matmul %get3A_1, %get3A_27, %dot_general3A_28 {dimension_numbers = #tpu.dot_dimension_numbers<[1], [0], [0], [1], [0, 0, 1, 1], [], []>, transpose_lhs_hint = false} : vector<2048x32xf32>, vector<32x2048xf32>, vector<2048x2048xf32> -> vector<2048x2048xf32>
    %get3A_30 = arith.constant 0 : index
    %get3A_31 = arith.constant 2048 : index
    %get3A_32 = vector.load %arg3[%get3A_30, %get3A_31] : memref<1x8192xf32, #tpu.memory_space<vmem>>, vector<1x2048xf32>
    %add3A_33 = vector.broadcast %get3A_4 : vector<2048x1xf32> to vector<2048x2048xf32>
    %add3A_34 = vector.broadcast %get3A_32 : vector<1x2048xf32> to vector<2048x2048xf32>
    %add3A_35 = arith.addf %add3A_33, %add3A_34 : vector<2048x2048xf32>
    %mul3A_36 = arith.constant 2.000000e+00 : f32
    %mul3A_37 = vector.broadcast %mul3A_36 : f32 to vector<2048x2048xf32>
    %mul3A_38 = arith.mulf %mul3A_37, %dot_general3A_29 : vector<2048x2048xf32>
    %sub3A_39 = arith.subf %add3A_35, %mul3A_38 : vector<2048x2048xf32>
    %reduce_min3A_40 = arith.constant dense<0x7F800000> : vector<2048xf32>
    %reduce_min3A_41 = vector.multi_reduction <minimumf>, %sub3A_39, %reduce_min3A_40 [1] : vector<2048x2048xf32> to vector<2048xf32>
    %broadcast_in_dim3A_42 = vector.shape_cast %reduce_min3A_41 : vector<2048xf32> to vector<2048x1xf32>
    %iota3A_43 = tpu.iota {dimensions = array<i32: 1>} : vector<2048x2048xi32>
    %eq3A_44 = vector.broadcast %broadcast_in_dim3A_42 : vector<2048x1xf32> to vector<2048x2048xf32>
    %eq3A_45 = arith.cmpf oeq, %sub3A_39, %eq3A_44 : vector<2048x2048xf32>
    %jit3A_46 = arith.constant 8192 : i32
    %broadcast_in_dim3A_47 = vector.broadcast %jit3A_46 : i32 to vector<2048x2048xi32>
    %select_n3A_48 = arith.select %eq3A_45, %iota3A_43, %broadcast_in_dim3A_47 : vector<2048x2048xi1>, vector<2048x2048xi32>
    %reduce_min3A_49 = arith.constant dense<2147483647> : vector<2048xi32>
    %reduce_min3A_50 = vector.multi_reduction <minsi>, %select_n3A_48, %reduce_min3A_49 [1] : vector<2048x2048xi32> to vector<2048xi32>
    %broadcast_in_dim3A_51 = vector.shape_cast %reduce_min3A_50 : vector<2048xi32> to vector<2048x1xi32>
    %add3A_52 = arith.constant 2048 : i32
    %add3A_53 = vector.broadcast %add3A_52 : i32 to vector<2048x1xi32>
    %add3A_54 = arith.addi %broadcast_in_dim3A_51, %add3A_53 : vector<2048x1xi32>
    %lt3A = arith.cmpf olt, %broadcast_in_dim3A_42, %broadcast_in_dim3A : vector<2048x1xf32>
    %select_n3A_55 = arith.select %lt3A, %broadcast_in_dim3A_42, %broadcast_in_dim3A : vector<2048x1xi1>, vector<2048x1xf32>
    %select_n3A_56 = arith.select %lt3A, %add3A_54, %add3A_24 : vector<2048x1xi1>, vector<2048x1xi32>
    %convert_element_type3A = arith.truncf %select_n3A_55 : vector<2048x1xf32> to vector<2048x1xbf16>
    %get3A_57 = arith.constant 0 : index
    %get3A_58 = arith.constant 4096 : index
    %get3A_59 = vector.load %arg4[%get3A_57, %get3A_58] : memref<32x8192xf32, #tpu.memory_space<vmem>>, vector<32x2048xf32>
    %dot_general3A_60 = arith.constant dense<0.000000e+00> : vector<2048x2048xf32>
    %dot_general3A_61 = tpu.matmul %get3A_1, %get3A_59, %dot_general3A_60 {dimension_numbers = #tpu.dot_dimension_numbers<[1], [0], [0], [1], [0, 0, 1, 1], [], []>, transpose_lhs_hint = false} : vector<2048x32xf32>, vector<32x2048xf32>, vector<2048x2048xf32> -> vector<2048x2048xf32>
    %get3A_62 = arith.constant 0 : index
    %get3A_63 = arith.constant 4096 : index
    %get3A_64 = vector.load %arg3[%get3A_62, %get3A_63] : memref<1x8192xf32, #tpu.memory_space<vmem>>, vector<1x2048xf32>
    %add3A_65 = vector.broadcast %get3A_4 : vector<2048x1xf32> to vector<2048x2048xf32>
    %add3A_66 = vector.broadcast %get3A_64 : vector<1x2048xf32> to vector<2048x2048xf32>
    %add3A_67 = arith.addf %add3A_65, %add3A_66 : vector<2048x2048xf32>
    %mul3A_68 = arith.constant 2.000000e+00 : f32
    %mul3A_69 = vector.broadcast %mul3A_68 : f32 to vector<2048x2048xf32>
    %mul3A_70 = arith.mulf %mul3A_69, %dot_general3A_61 : vector<2048x2048xf32>
    %sub3A_71 = arith.subf %add3A_67, %mul3A_70 : vector<2048x2048xf32>
    %reduce_min3A_72 = arith.constant dense<0x7F800000> : vector<2048xf32>
    %reduce_min3A_73 = vector.multi_reduction <minimumf>, %sub3A_71, %reduce_min3A_72 [1] : vector<2048x2048xf32> to vector<2048xf32>
    %broadcast_in_dim3A_74 = vector.shape_cast %reduce_min3A_73 : vector<2048xf32> to vector<2048x1xf32>
    %iota3A_75 = tpu.iota {dimensions = array<i32: 1>} : vector<2048x2048xi32>
    %eq3A_76 = vector.broadcast %broadcast_in_dim3A_74 : vector<2048x1xf32> to vector<2048x2048xf32>
    %eq3A_77 = arith.cmpf oeq, %sub3A_71, %eq3A_76 : vector<2048x2048xf32>
    %jit3A_78 = arith.constant 8192 : i32
    %broadcast_in_dim3A_79 = vector.broadcast %jit3A_78 : i32 to vector<2048x2048xi32>
    %select_n3A_80 = arith.select %eq3A_77, %iota3A_75, %broadcast_in_dim3A_79 : vector<2048x2048xi1>, vector<2048x2048xi32>
    %reduce_min3A_81 = arith.constant dense<2147483647> : vector<2048xi32>
    %reduce_min3A_82 = vector.multi_reduction <minsi>, %select_n3A_80, %reduce_min3A_81 [1] : vector<2048x2048xi32> to vector<2048xi32>
    %broadcast_in_dim3A_83 = vector.shape_cast %reduce_min3A_82 : vector<2048xi32> to vector<2048x1xi32>
    %add3A_84 = arith.constant 4096 : i32
    %add3A_85 = vector.broadcast %add3A_84 : i32 to vector<2048x1xi32>
    %add3A_86 = arith.addi %broadcast_in_dim3A_83, %add3A_85 : vector<2048x1xi32>
    %get3A_87 = arith.constant 0 : index
    %get3A_88 = arith.constant 6144 : index
    %get3A_89 = vector.load %arg4[%get3A_87, %get3A_88] : memref<32x8192xf32, #tpu.memory_space<vmem>>, vector<32x2048xf32>
    %dot_general3A_90 = arith.constant dense<0.000000e+00> : vector<2048x2048xf32>
    %dot_general3A_91 = tpu.matmul %get3A_1, %get3A_89, %dot_general3A_90 {dimension_numbers = #tpu.dot_dimension_numbers<[1], [0], [0], [1], [0, 0, 1, 1], [], []>, transpose_lhs_hint = false} : vector<2048x32xf32>, vector<32x2048xf32>, vector<2048x2048xf32> -> vector<2048x2048xf32>
    %get3A_92 = arith.constant 0 : index
    %get3A_93 = arith.constant 6144 : index
    %get3A_94 = vector.load %arg3[%get3A_92, %get3A_93] : memref<1x8192xf32, #tpu.memory_space<vmem>>, vector<1x2048xf32>
    %add3A_95 = vector.broadcast %get3A_4 : vector<2048x1xf32> to vector<2048x2048xf32>
    %add3A_96 = vector.broadcast %get3A_94 : vector<1x2048xf32> to vector<2048x2048xf32>
    %add3A_97 = arith.addf %add3A_95, %add3A_96 : vector<2048x2048xf32>
    %mul3A_98 = arith.constant 2.000000e+00 : f32
    %mul3A_99 = vector.broadcast %mul3A_98 : f32 to vector<2048x2048xf32>
    %mul3A_100 = arith.mulf %mul3A_99, %dot_general3A_91 : vector<2048x2048xf32>
    %sub3A_101 = arith.subf %add3A_97, %mul3A_100 : vector<2048x2048xf32>
    %reduce_min3A_102 = arith.constant dense<0x7F800000> : vector<2048xf32>
    %reduce_min3A_103 = vector.multi_reduction <minimumf>, %sub3A_101, %reduce_min3A_102 [1] : vector<2048x2048xf32> to vector<2048xf32>
    %broadcast_in_dim3A_104 = vector.shape_cast %reduce_min3A_103 : vector<2048xf32> to vector<2048x1xf32>
    %iota3A_105 = tpu.iota {dimensions = array<i32: 1>} : vector<2048x2048xi32>
    %eq3A_106 = vector.broadcast %broadcast_in_dim3A_104 : vector<2048x1xf32> to vector<2048x2048xf32>
    %eq3A_107 = arith.cmpf oeq, %sub3A_101, %eq3A_106 : vector<2048x2048xf32>
    %jit3A_108 = arith.constant 8192 : i32
    %broadcast_in_dim3A_109 = vector.broadcast %jit3A_108 : i32 to vector<2048x2048xi32>
    %select_n3A_110 = arith.select %eq3A_107, %iota3A_105, %broadcast_in_dim3A_109 : vector<2048x2048xi1>, vector<2048x2048xi32>
    %reduce_min3A_111 = arith.constant dense<2147483647> : vector<2048xi32>
    %reduce_min3A_112 = vector.multi_reduction <minsi>, %select_n3A_110, %reduce_min3A_111 [1] : vector<2048x2048xi32> to vector<2048xi32>
    %broadcast_in_dim3A_113 = vector.shape_cast %reduce_min3A_112 : vector<2048xi32> to vector<2048x1xi32>
    %add3A_114 = arith.constant 6144 : i32
    %add3A_115 = vector.broadcast %add3A_114 : i32 to vector<2048x1xi32>
    %add3A_116 = arith.addi %broadcast_in_dim3A_113, %add3A_115 : vector<2048x1xi32>
    %lt3A_117 = arith.cmpf olt, %broadcast_in_dim3A_104, %broadcast_in_dim3A_74 : vector<2048x1xf32>
    %select_n3A_118 = arith.select %lt3A_117, %broadcast_in_dim3A_104, %broadcast_in_dim3A_74 : vector<2048x1xi1>, vector<2048x1xf32>
    %select_n3A_119 = arith.select %lt3A_117, %add3A_116, %add3A_86 : vector<2048x1xi1>, vector<2048x1xi32>
    %convert_element_type3A_120 = arith.extf %convert_element_type3A : vector<2048x1xbf16> to vector<2048x1xf32>
    %lt3A_121 = arith.cmpf olt, %select_n3A_118, %convert_element_type3A_120 : vector<2048x1xf32>
    %select_n3A_122 = arith.select %lt3A_121, %select_n3A_119, %select_n3A_56 : vector<2048x1xi1>, vector<2048x1xi32>
    %swap3A = arith.constant 0 : index
    %swap3A_123 = arith.constant 0 : index
    %swap3A_124 = vector.load %arg5[%swap3A, %swap3A_123] : memref<2048x1xi32, #tpu.memory_space<vmem>>, vector<2048x1xi32>
    tpu.vector_store %arg5[%swap3A, %swap3A_123], %select_n3A_122 {strides = array<i32>} : memref<2048x1xi32, #tpu.memory_space<vmem>>, vector<2048x1xi32>,
    return
  }
  func.func @transform_0(%arg0: i32) -> (i32, i32) {
    %c0_i32 = arith.constant 0 : i32
    %c0_i32_0 = arith.constant 0 : i32
    return %arg0, %c0_i32 : i32, i32
  }
  func.func @transform_1(%arg0: i32) -> (i32, i32) {
    %c0_i32 = arith.constant 0 : i32
    %c0_i32_0 = arith.constant 0 : i32
    return %arg0, %c0_i32 : i32, i32
  }
  func.func @transform_2(%arg0: i32) -> (i32, i32) {
    %c0_i32 = arith.constant 0 : i32
    %c0_i32_0 = arith.constant 0 : i32
    %c0_i32_1 = arith.constant 0 : i32
    return %c0_i32, %c0_i32_0 : i32, i32
  }
  func.func @transform_3(%arg0: i32) -> (i32, i32) {
    %c0_i32 = arith.constant 0 : i32
    %c0_i32_0 = arith.constant 0 : i32
    %c0_i32_1 = arith.constant 0 : i32
    return %c0_i32, %c0_i32_0 : i32, i32
  }
  func.func @transform_4(%arg0: i32) -> (i32, i32) {
    %c0_i32 = arith.constant 0 : i32
    %c0_i32_0 = arith.constant 0 : i32
    return %arg0, %c0_i32 : i32, i32
  }
}

</mosaic_0001>

<sc_bundles>
// kernel: kernel.4.cloned.1.call-start
scs
__scs_entry_jumppad:
0x0: {  	(pc) =	sbr.rel $0x88, $3  }
0x1: {  	(tag) =	ssettag $0x0;
	lr =	simm.s32 $0x1  }
0x2: {  	[smem:$0x3F9F] =	sst lr;
	_ =	strace $0xD0000000  }
0x3: {  	_ = 	snop  }
0x4: {  	_ = 	snop  }
0x5: {  	_ = 	snop  }
0x6: {  	_ = 	snop  }
0x7: {  	_ = 	snop  }
__scs_overlays_trampoline_lowered:
0x8: {  	[smem:$0x3FAE] =	sst s0  }
0x9: {  	[smem:$0x3FAF] =	sst s1  }
0xa: {  	[smem:$0x3FB0] =	sst s2  }
0xb: {  	[smem:$0x3FB1] =	sst s3  }
0xc: {  	[smem:$0x3FB2] =	sst s4  }
0xd: {  	[smem:$0x3FB3] =	sst s5  }
0xe: {  	[smem:$0x3FB4] =	sst s6  }
0xf: {  	[smem:$0x3FB5] =	sst s7  }
0x10: {  	[smem:$0x3FB6] =	sst s8  }
0x11: {  	[smem:$0x3FB7] =	sst s9;
	s0 =	simm.s32 @!p0 $0x0  }
0x12: {  	s1 =	sld [smem:$0x3F9D];
	s0 =	simm.s32 @p0 $0x1  }
0x13: {  	[smem:$0x3FB8] =	sst s0;
	s0 =	simm.s32 @!p1 $0x0  }
0x14: {  	s2 =	sld [smem:$0x3F9C];
	s0 =	simm.s32 @p1 $0x1  }
0x15: {  	[smem:$0x3FB9] =	sst s0;
	s0 =	simm.s32 @!p2 $0x0  }
0x16: {  	s3 =	sld [smem:$0x3FDB];
	s0 =	simm.s32 @p2 $0x1  }
0x17: {  	s4 =	simm.s32 $0x1BF5;
	[smem:$0x3FBB] =	sst s0  }
0x18: {  	s0 =	sld [smem:$0x3F9E];
	_ =	swait.ge [sflag:s4], $0x0  }
0x19: {  	s7 =	sld [smem:$0x3F9F]  }
0x1a: {  	s8 =	sadd.s32 $0xFFFFE003, lr  }
0x1b: {  	s9 =	sadd.s32 $0xFFFFFEF7, lr;
	s5 =	simm.s32 $0xFFFFFFFF;
	p2 =	slt.u32 s8, $0xFFFFF086  }
0x1c: {  	p1 =	slt.u32 s9, $0xF7A;
	s5 =	simm.s32 @!p2 $0x0  }
0x1d: {  	s5 =	simm.s32 @p1 $0x1;
	p0 =	seq.s32 s7, s2  }
0x1e: {  	s7 =	smul.u32 @!p0 $0xF7A, s2;
	p2 =	seq.s32 @!p0 s5, $0x0  }
0x1f: {  	s9 =	smul.u32 $0xF7A, s1;
	s8 =	simm.s32 @!p0 $0x1BF5;
	p2 =	por !p2, p0  }
0x20: {  	[sflag:s8] =	ssyncset.s32 @!p0 $0xFFFFF086;
	s6 =	sadd.s32 @!p0 s3, s7;
	s7 =	simm.s32 @!p0 $0x108  }
0x21: {  	s3 =	sadd.s32 s3, s9;
	s6 =	sadd.s32 @!p0 $0x88, s6;
	s7 =	simm.s32 @p2 $0x1082  }
0x22: {  	[simem:s7], [sflag:s8] =	dma.local @!p0 [hbm:s6], $0xF7A  }
0x23: {  	s9 =	sor.u32 $0xD0000000, s2;
	s6 =	simm.s32 $0x108;
	_ =	swait.ge @!p0 [sflag:s8], $0x0  }
0x24: {  	s3 =	sadd.s32 $0x88, s3;
	s6 =	simm.s32 @!p1 $0x1082;
	[sflag:s4] =	ssyncset.s32 $0xFFFFF086  }
0x25: {  	[simem:s6], [sflag:s4] =	dma.local [hbm:s3], $0xF7A  }
0x26: {  	[smem:$0x3F9F] =	sst s1;
	(tag) =	ssettag s2;
	_ =	strace s9  }
0x27: {  	s1 =	sld [smem:$0x3FAF]  }
0x28: {  	s2 =	sld [smem:$0x3FB0]  }
0x29: {  	s4 =	sld [smem:$0x3FB2]  }
0x2a: {  	p0 =	seq.s32 s5, $0x0;
	s5 =	sld [smem:$0x3FB3]  }
0x2b: {  	s6 =	sld [smem:$0x3FB4]  }
0x2c: {  	s7 =	sld [smem:$0x3FB5]  }
0x2d: {  	s3 =	simm.s32 $0x108;
	s8 =	sld [smem:$0x3FB6]  }
0x2e: {  	s3 =	simm.s32 @!p0 $0x1082;
	s9 =	sld [smem:$0x3FB7]  }
0x2f: {  	lr =	sadd.s32 s0, s3;
	s0 =	sld [smem:$0x3FAE]  }
0x30: {  	s3 =	sld [smem:$0x3FB1]  }
0x31: {  	[smem:$0x3FBA] =	sst s10  }
0x32: {  	s10 =	sld [smem:$0x3FB8];
	_ =	sdelay $0x3  }
0x33: {  	p0 =	seq.s32 s10, $0x1;
	s10 =	sld [smem:$0x3FBA];
	_ =	sdelay $0x3  }
0x34: {  	[smem:$0x3FBA] =	sst s10  }
0x35: {  	s10 =	sld [smem:$0x3FB9];
	_ =	sdelay $0x3  }
0x36: {  	p1 =	seq.s32 s10, $0x1;
	s10 =	sld [smem:$0x3FBA];
	_ =	sdelay $0x3  }
0x37: {  	[smem:$0x3FBA] =	sst s10  }
0x38: {  	s10 =	sld [smem:$0x3FBB]  }
0x39: {  	_ = 	snop;
	(pc) =	sbr.ind lr, $3  }
0x3a: {  	_ = 	snop  }
0x3b: {  	_ = 	snop  }
0x3c: {  	p2 =	seq.s32 s10, $0x1;
	s10 =	sld [smem:$0x3FBA]  }
0x3d: {  	_ =	shalt  }
0x3e: {  	_ =	shalt  }
0x3f: {  	_ =	shalt  }
0x40: {  	_ =	shalt  }
0x41: {  	_ =	shalt  }
0x42: {  	_ =	shalt  }
0x43: {  	_ =	shalt  }
0x44: {  	_ =	shalt  }
0x45: {  	_ =	shalt  }
0x46: {  	_ =	shalt  }
0x47: {  	_ =	shalt  }
0x48: {  	_ =	shalt  }
0x49: {  	_ =	shalt  }
0x4a: {  	_ =	shalt  }
0x4b: {  	_ =	shalt  }
0x4c: {  	_ =	shalt  }
0x4d: {  	_ =	shalt  }
0x4e: {  	_ =	shalt  }
0x4f: {  	_ =	shalt  }
0x50: {  	_ =	shalt  }
0x51: {  	_ =	shalt  }
0x52: {  	_ =	shalt  }
0x53: {  	_ =	shalt  }
0x54: {  	_ =	shalt  }
0x55: {  	_ =	shalt  }
0x56: {  	_ =	shalt  }
0x57: {  	_ =	shalt  }
0x58: {  	_ =	shalt  }
0x59: {  	_ =	shalt  }
0x5a: {  	_ =	shalt  }
0x5b: {  	_ =	shalt  }
0x5c: {  	_ =	shalt  }
0x5d: {  	_ =	shalt  }
0x5e: {  	_ =	shalt  }
0x5f: {  	_ =	shalt  }
0x60: {  	_ =	shalt  }
0x61: {  	_ =	shalt  }
0x62: {  	_ =	shalt  }
0x63: {  	_ =	shalt  }
0x64: {  	_ =	shalt  }
0x65: {  	_ =	shalt  }
0x66: {  	_ =	shalt  }
0x67: {  	_ =	shalt  }
0x68: {  	_ =	shalt  }
0x69: {  	_ =	shalt  }
0x6a: {  	_ =	shalt  }
0x6b: {  	_ =	shalt  }
0x6c: {  	_ =	shalt  }
0x6d: {  	_ =	shalt  }
0x6e: {  	_ =	shalt  }
0x6f: {  	_ =	shalt  }
0x70: {  	_ =	shalt  }
0x71: {  	_ =	shalt  }
0x72: {  	_ =	shalt  }
0x73: {  	_ =	shalt  }
0x74: {  	_ =	shalt  }
0x75: {  	_ =	shalt  }
0x76: {  	_ =	shalt  }
0x77: {  	_ =	shalt  }
0x78: {  	_ =	shalt  }
0x79: {  	_ =	shalt  }
0x7a: {  	_ =	shalt  }
0x7b: {  	_ =	shalt  }
0x7c: {  	_ =	shalt  }
0x7d: {  	_ =	shalt  }
0x7e: {  	_ =	shalt  }
0x7f: {  	_ =	shalt  }
0x80: {  	_ =	shalt  }
0x81: {  	_ =	shalt  }
0x82: {  	_ =	shalt  }
0x83: {  	_ =	shalt  }
0x84: {  	_ =	shalt  }
0x85: {  	_ =	shalt  }
0x86: {  	_ =	shalt  }
0x87: {  	_ =	shalt  }
.Lfunc_end0:
.L_simem_size_0:
called_computation_lowered:
.L_overlay_start_0:
0x88: {  	s2 =	sld [smem:$0x3FD9]  }
0x89: {  	s3 =	sld [smem:$0x3FFE];
	_ =	sdelay $0x1  }
0x8a: {  	s1 =	srdreg.scid  }
0x8b: {  	s0 =	sand.u32 $0x1, s1  }
0x8c: {  	s14 =	sshll.u32 s0, $0xA;
	s2 =	sadd.s32 s3, s2  }
0x8d: {  	s2 =	sadd.s32 s2, s14  }
0x8e: {  	[smem:$0x3FC6] =	sst s2  }
0x8f: {  	_ = 	snop  }
0x90: {  	s2 =	sld [smem:$0x3FD0];
	_ =	sdelay $0x2  }
0x91: {  	s15 =	simm.s32 $0xA;
	s4 =	simm.s32 $0x10  }
0x92: {  	[smem:s4], [sflag:s15] =	dma.local [hbm:s2], $0x1  }
0x93: {  	_ =	swait.eq [sflag:s15], $0x1  }
0x94: {  	[sflag:s15] =	ssyncset.done $0x0  }
0x95: {  	s16 =	sld [smem:$0x10];
	[sflag:s15] =	ssyncadd.s32 $0xFFFFFFFF  }
0x96: {  	s17 =	sld [smem:$0x12];
	(tm) =	ssettm $0x1  }
0x97: {  	s18 =	sld [smem:$0x3FFB];
	_ =	sdelay $0x3  }
0x98: {  	_ =	strace s18  }
0x99: {  	s4 =	sld [smem:$0x3FFC];
	_ =	sdelay $0x3  }
0x9a: {  	_ =	strace s4  }
0x9b: {  	s4 =	sld [smem:$0x3FFD];
	_ =	sdelay $0x3  }
0x9c: {  	_ =	strace s4  }
0x9d: {  	_ =	strace $0x8FFFFFFF  }
0x9e: {  	s19 =	sld [smem:$0x3FDB];
	_ =	sdelay $0x1  }
0x9f: {  	s5 =	simm.s32 $_scs_section_size  }
0xa0: {  	s6 =	simm.s32 $_size__tile_overlayer_lowered;
	s7 =	simm.s32 $_tile_overlayer_lowered  }
0xa1: {  	s22 =	simm.s32 $0x1BFF;
	s21 =	sshll.u32 s7, $0x1;
	s4 =	sadd.s32 s5, s19  }
0xa2: {  	s8 =	simm.s32 $0x0;
	s20 =	sshll.u32 s6, $0x1;
	s6 =	sadd.s32 s21, s4  }
0xa3: {  	[timem:s8], [sflag:s22] =	dma.local [hbm:s6], s20  }
0xa4: {  	_ =	swait.ge [sflag:s22], s20  }
0xa5: {  	s5 =	ssub.s32 $0x0, s20;
	[sflag:s22] =	ssyncset.done $0x0  }
0xa6: {  	[sflag:s22] =	ssyncadd.s32 s5;
	_ =	sdelay $0x1  }
0xa7: {  	s23 =	simm.s32 $0x1B8B  }
0xa8: {  	_ =	swait.ge [sflag:s23], $0x1  }
0xa9: {  	[sflag:s23] =	ssyncset.done $0x0  }
0xaa: {  	s25 =	simm.s32 $0x1B8E;
	s24 =	sld [smem:$0x3FFE];
	[sflag:s23] =	ssyncadd.s32 $0xFFFFFFFF  }
0xab: {  	s26 =	simm.s32 $execute0_lowered;
	[smem:$0x3FD2] =	sst s25  }
0xac: {  	s6 =	sshll.u32 s26, $0x1;
	_ =	strace $0x80000046;
	[dreg:$0x1] =	wrdreg $0xFFFFFFFF  }
0xad: {  	s28 =	simm.s32 $_size_execute0_lowered;
	s4 =	sadd.s32 s4, s6;
	[dreg:$0x0] =	wrdreg $0x0  }
0xae: {  	s6 =	sshll.u32 s28, $0x1;
	[dreg:$0x2] =	wrdreg s4  }
0xaf: {  	[dreg:$0x3] =	wrdreg s6  }
0xb0: {  	[dreg:$0x4] =	wrdreg $0xC0  }
0xb1: {  	_ =	task [dreg:s8], $0x5FFFF  }
0xb2: {  	[dreg:$0x1] =	wrdreg $0xFFFFFFFF  }
0xb3: {  	[dreg:$0x0] =	wrdreg $0x60  }
0xb4: {  	[dreg:$0x2] =	wrdreg s24  }
0xb5: {  	[dreg:$0x3] =	wrdreg s17  }
0xb6: {  	[dreg:$0x4] =	wrdreg s16  }
0xb7: {  	[dreg:$0x5] =	wrdreg $0x9  }
0xb8: {  	_ =	task.clear_ibuf [dreg:s8], $0x6FFFF;
	_ =	strace $0x90000046  }
0xb9: {  	s29 =	simm.s32 $0x9;
	_ =	strace $0x80000048  }
0xba: {  	_ =	swait.ge [sflag:s29], $0x1  }
0xbb: {  	[sflag:s29] =	ssyncadd.s32 $0xFFFFFFFF  }
0xbc: {  	_ =	strace $0x90000048  }
0xbd: {  	_ =	sfence  }
0xbe: {  	s30 =	sld [smem:$0x0];
	_ =	sdelay $0x2  }
0xbf: {  	s31 =	sshll.u32 s1, $0xD;
	s1 =	sshrl.u32 s1, $0x2  }
0xc0: {  	s3 =	sand.u32 $0x4000, s31;
	s1 =	sadd.s32 s1, s30  }
0xc1: {  	s0 =	sor.u32 s3, s0;
	s1 =	sshll.u32 s1, $0x11  }
0xc2: {  	s0 =	sor.u32 s1, s0  }
0xc3: {  	s0 =	sadd.s32 $0x8F2B, s0  }
0xc4: {  	[sflag:s0] =	ssyncadd.remote.s32 $0x1  }
0xc5: {  	_ =	sfence.sel $0xFFFF  }
0xc6: {  	[dreg:$0x0] =	wrdreg $0xFFFFFFFF;
	(pc) =	sbr.abs _section_cstart, $3  }
0xc7: {  	[dreg:$0x1] =	wrdreg $0xFFFFFFFF  }
0xc8: {  	_ =	task.clear_ibuf [dreg:s8], $0x2FFFF;
	_ =	strace $0x9FFFFFFF  }
0xc9: {  	(tm) =	ssettm $0x7FFFFFFF  }
tec
execute0_lowered:
.L_overlay_start_1:
0x0: {  	(tag) =	ssettag $0x1  }
0x1: {  	s0 =	rddreg [dreg:$0x0]  }
0x2: {  	s4 =	rddreg [dreg:$0x1]  }
0x3: {  	s5 =	rddreg [dreg:$0x2];
	s2 =	simm.s32 $0x0;
	s3 =	srdreg.scid  }
0x4: {  	s1 =	stileid.u32;
	s11 =	simm.s32 $0x80;
	s12 =	simm.s32 $0x400  }
0x5: {  	s13 =	simm.s32 $0x1400;
	s14 =	simm.s32 $0x100;
	s15 =	simm.s32 $0x2400  }
0x6: {  	s16 =	simm.s32 $0x180;
	s17 =	simm.s32 $0x3400;
	s18 =	simm.s32 $0x200  }
0x7: {  	s19 =	simm.s32 $0x4400;
	s20 =	simm.s32 $0x280;
	s21 =	simm.s32 $0x5400  }
0x8: {  	s22 =	simm.s32 $0x300;
	s23 =	simm.s32 $0x6400;
	s24 =	simm.s32 $0x380  }
0x9: {  	s25 =	simm.s32 $0x7400;
	s26 =	simm.s32 $0x1;
	s28 =	simm.s32 $0x10400  }
0xa: {  	s29 =	simm.s32 $0x0;
	s6 =	sand.u32 $0x1, s3;
	s30 =	sshll.u32 s1, $0x1  }
0xb: {  	[smem:$0x7FF] =	sst s2;
	s3 =	sadd.s32 $0x100000, s0;
	s7 =	sor.u32 s6, s30  }
0xc: {  	_ =	strace $0x80000047;
	s6 =	ssub.s32 $0x2, s6;
	s8 =	sshll.u32 s7, $0x1  }
0xd: {  	s9 =	sshrl.u32 s6, $0x1;
	s10 =	sshll.u32 s7, $0x7;
	s31 =	sshll.u32 s7, $0xC  }
0xe: {  	s8 =	sadd.s32 s8, s0;
	s9 =	ssub.s32 s6, s9;
	s4 =	sadd.s32 s4, s10  }
0xf: {  	s5 =	sadd.s32 s5, s31;
	s6 =	sadd.s32 s0, s31;
	s10 =	simm.s32 $0x8400  }
0x10: {  	s7 =	sadd.s32 $0x20000, s8;
	s8 =	smax.u32 s9, $0x1;
	s9 =	simm.s32 $0x2  }
.LBB2_1:
0x11: {  	[tilespmem:s2], [sflag:$0x2] =	stream.linear.gather [hbm4b:s4+s2], $0x400, $0x38;
	[tilespmem:$0x10410] =	vst v63  }
0x12: {  	_ =	swait.ge [sflag:s9], $0x400  }
0x13: {  	[sflag:s9] =	ssyncset.done $0x0  }
0x14: {  	[sflag:s9] =	ssyncadd.s32 $0xFFFFFC00  }
0x15: {  	[tilespmem:s10], [sflag:$0x2] =	stream.linear.gather [hbm4b:s5+s2], $0x8000, $0x38;
	[tilespmem:$0x10410] =	vst v63  }
0x16: {  	_ =	swait.ge [sflag:s9], $0x8000  }
0x17: {  	[sflag:s9] =	ssyncset.done $0x0  }
0x18: {  	[sflag:s9] =	ssyncadd.s32 $0xFFFF8000  }
0x19: {  	[tilespmem:s12], [sflag:$0x1] =	stream.indirect.gather [hbm4b:s3+s11], $0x20, s2, s11, $0xb8;
	[tilespmem:$0x10410] =	vst v63  }
0x1a: {  	_ = 	snop  }
0x1b: {  	[tilespmem:s13], [sflag:$0x1] =	stream.indirect.gather [hbm4b:s3+s11], $0x20, s11, s11, $0xb8;
	[tilespmem:$0x10410] =	vst v63  }
0x1c: {  	_ = 	snop  }
0x1d: {  	[tilespmem:s15], [sflag:$0x1] =	stream.indirect.gather [hbm4b:s3+s11], $0x20, s14, s11, $0xb8;
	[tilespmem:$0x10410] =	vst v63  }
0x1e: {  	_ = 	snop  }
0x1f: {  	[tilespmem:s17], [sflag:$0x1] =	stream.indirect.gather [hbm4b:s3+s11], $0x20, s16, s11, $0xb8;
	[tilespmem:$0x10410] =	vst v63  }
0x20: {  	_ = 	snop  }
0x21: {  	[tilespmem:s19], [sflag:$0x1] =	stream.indirect.gather [hbm4b:s3+s11], $0x20, s18, s11, $0xb8;
	[tilespmem:$0x10410] =	vst v63  }
0x22: {  	_ = 	snop  }
0x23: {  	[tilespmem:s21], [sflag:$0x1] =	stream.indirect.gather [hbm4b:s3+s11], $0x20, s20, s11, $0xb8;
	[tilespmem:$0x10410] =	vst v63  }
0x24: {  	_ = 	snop  }
0x25: {  	[tilespmem:s23], [sflag:$0x1] =	stream.indirect.gather [hbm4b:s3+s11], $0x20, s22, s11, $0xb8;
	[tilespmem:$0x10410] =	vst v63  }
0x26: {  	_ = 	snop  }
0x27: {  	[tilespmem:s25], [sflag:$0x1] =	stream.indirect.gather [hbm4b:s3+s11], $0x20, s24, s11, $0xb8;
	[tilespmem:$0x10410] =	vst v63  }
0x28: {  	_ =	swait.ge [sflag:s26], $0x1000  }
0x29: {  	[sflag:s26] =	ssyncset.done $0x0  }
0x2a: {  	[sflag:s26] =	ssyncadd.s32 $0xFFFFF000  }
0x2b: {  	_ =	swait.ge [sflag:s26], $0x1000  }
0x2c: {  	[sflag:s26] =	ssyncset.done $0x0  }
0x2d: {  	[sflag:s26] =	ssyncadd.s32 $0xFFFFF000  }
0x2e: {  	_ =	swait.ge [sflag:s26], $0x1000  }
0x2f: {  	[sflag:s26] =	ssyncset.done $0x0  }
0x30: {  	[sflag:s26] =	ssyncadd.s32 $0xFFFFF000  }
0x31: {  	_ =	swait.ge [sflag:s26], $0x1000  }
0x32: {  	[sflag:s26] =	ssyncset.done $0x0  }
0x33: {  	[sflag:s26] =	ssyncadd.s32 $0xFFFFF000  }
0x34: {  	_ =	swait.ge [sflag:s26], $0x1000  }
0x35: {  	[sflag:s26] =	ssyncset.done $0x0  }
0x36: {  	[sflag:s26] =	ssyncadd.s32 $0xFFFFF000  }
0x37: {  	_ =	swait.ge [sflag:s26], $0x1000  }
0x38: {  	[sflag:s26] =	ssyncset.done $0x0  }
0x39: {  	[sflag:s26] =	ssyncadd.s32 $0xFFFFF000  }
0x3a: {  	_ =	swait.ge [sflag:s26], $0x1000  }
0x3b: {  	[sflag:s26] =	ssyncset.done $0x0  }
0x3c: {  	[sflag:s26] =	ssyncadd.s32 $0xFFFFF000  }
0x3d: {  	_ =	swait.ge [sflag:s26], $0x1000  }
0x3e: {  	[sflag:s26] =	ssyncset.done $0x0  }
0x3f: {  	s30 =	simm.s32 $0x0;
	[sflag:s26] =	ssyncadd.s32 $0xFFFFF000  }
0x40: {  	v3 =	vld [tilespmem:s30+$0x8410]  }
0x41: {  	v0 =	vld [tilespmem:s30+$0x8400]  }
0x42: {  	v1 =	vld [tilespmem:s30+$0x400]  }
0x43: {  	v2 =	vld [tilespmem:s30+$0x410];
	_ =	sdelay $0x3  }
0x44: {  	v5 =	vsub.f32 v1, v0  }
0x45: {  	v6 =	vsub.f32 v2, v3  }
0x46: {  	s31 =	simm.s32 $0x20;
	v4 =	vadd.f32 v5, v0;
	v2 =	vmul.f32 v5, v5  }
0x47: {  	s0 =	simm.s32 $0x100;
	v1 =	vimm.f32 $0.0e+00;
	v0 =	vld [tilespmem:s31+$0x8410];
	v5 =	vadd.f32 v6, v3;
	v3 =	vmul.f32 v6, v6  }
.LBB2_2:
0x48: {  	p0 =	sne.s32 s0, $0x1FF80;
	v6 =	vld [tilespmem:s31+$0x8400];
	[tilespmem:s30+$0x400] =	vst v4;
	v1 =	vadd.f32 v2, v1  }
0x49: {  	v2 =	vld [tilespmem:s31+$0x400];
	[tilespmem:s30+$0x410] =	vst v5;
	s30 =	smov.u32 s31  }
0x4a: {  	v4 =	vld [tilespmem:s30+$0x410];
	v1 =	vadd.f32 v3, v1;
	_ =	sdelay $0x2  }
.Ltmp0:
0x4b: {  	(pc) =	sbr.rel @p0 .LBB2_2-.Ltmp0, $4  }
0x4c: {  	v2 =	vsub.f32 v2, v6  }
0x4d: {  	v3 =	vsub.f32 v4, v0  }
0x4e: {  	s31 =	sshra.s32 s0, $0x2;
	v4 =	vadd.f32 v2, v6;
	v2 =	vmul.f32 v2, v2  }
0x4f: {  	s0 =	sadd.s32 $0x80, s0;
	v5 =	vadd.f32 v3, v0;
	v0 =	vld [tilespmem:s31+$0x8410];
	v3 =	vmul.f32 v3, v3  }
0x50: {  	v6 =	vld [tilespmem:s31+$0x8400];
	[tilespmem:s30+$0x400] =	vst v4  }
0x51: {  	v4 =	vld [tilespmem:s31+$0x400]  }
0x52: {  	[tilespmem:s30+$0x410] =	vst v5  }
0x53: {  	v5 =	vld [tilespmem:s31+$0x410];
	_ =	sdelay $0x2  }
0x54: {  	v1 =	vadd.f32 v2, v1;
	v62 =	vsub.f32 v4, v6;
	_ =	sdelay $0x1  }
0x55: {  	v1 =	vadd.f32 v3, v1;
	v63 =	vsub.f32 v5, v0;
	v4 =	vmul.f32 v62, v62;
	_ =	sdelay $0x1  }
0x56: {  	v2 =	vadd.f32 v62, v6;
	v5 =	vmul.f32 v63, v63;
	v1 =	vadd.f32 v4, v1  }
0x57: {  	v0 =	vadd.f32 v63, v0  }
0x58: {  	[tilespmem:s31+$0x400] =	vst v2;
	v1 =	vadd.f32 v5, v1  }
0x59: {  	[tilespmem:s31+$0x410] =	vst v0  }
0x5a: {  	[tilespmem:$0x10400] =	vst v1  }
0x5b: {  	[hbm4b:s6+s2] =	stream.linear.scatter [tilespmem:s12], [sflag:$0x2], $0x8000, $0x38;
	[tilespmem:$0x10410] =	vst v63  }
0x5c: {  	s29 =	sadd.s32 $0x1, s29;
	_ =	swait.ge [sflag:s9], $0x8000  }
0x5d: {  	p0 =	sne.s32 s29, s8;
	[sflag:s9] =	ssyncset.done $0x0  }
.Ltmp1:
0x5e: {  	[sflag:s9] =	ssyncadd.s32 $0xFFFF8000;
	(pc) =	sbr.rel @p0 .LBB2_1-.Ltmp1, $4  }
0x5f: {  	[hbm4b:s7+s2] =	stream.linear.scatter [tilespmem:s28], [sflag:$0x2], $0x10, $0x38;
	[tilespmem:$0x10410] =	vst v63  }
0x60: {  	_ =	swait.ge [sflag:s9], $0x10  }
0x61: {  	[sflag:s9] =	ssyncset.done $0x0  }
0x62: {  	[sflag:s9] =	ssyncadd.s32 $0xFFFFFFF0  }
0x63: {  	_ =	sfence.sel $0x180000  }
0x64: {  	[bflag:$0x0] =	sbarrier.arrive $0xFFFF  }
0x65: {  	_ =	strace $0x90000047  }
0x66: {  	[bflag:$0x2] =	sbarrier.arrive $0xFFFF  }
0x67: {  	p0 =	sne.s32 s1, $0x0;
	s0 =	rddreg [dreg:$0x3]  }
0x68: {  	s0 =	sadd.s32 @!p0 $0x100000, s0  }
0x69: {  	[sflag:s0] =	ssyncadd.tile.s32 @!p0 $0x1;
	_ =	shalt  }
.Lfunc_end2:
_tile_overlayer_lowered:
.L_overlay_start_2:
0x6a: {  	(tag) =	ssettag $0x2  }
0x6b: {  	s0 =	rddreg [dreg:$0x0];
	s2 =	stileid.u32  }
0x6c: {  	s1 =	rddreg [dreg:$0x1];
	p0 =	sne.s32 s2, $0x0  }
0x6d: {  	s3 =	rddreg [dreg:$0x2];
	[bflag:$0x3] =	sbarrier.arrive $0xFFFF;
	s2 =	simm.s32 @!p0 $0x1C02  }
0x6e: {  	[timem:s3], [sflag:s2] =	dma.local @!p0 [hbm:s0], s1  }
0x6f: {  	s0 =	simm.s32 @!p0 $0x2  }
0x70: {  	_ =	swait.ge @!p0 [sflag:s0], s1  }
0x71: {  	s1 =	ssub.s32 @!p0 $0x0, s1;
	[sflag:s0] =	ssyncset.done @!p0 $0x0  }
0x72: {  	[sflag:s0] =	ssyncadd.s32 @!p0 s1  }
0x73: {  	[bflag:$0x3] =	sbarrier.arrive $0xFFFF  }
0x74: {  	_ =	shalt  }

</sc_bundles>
